<compile_context>
chip_gen: v7x
topology: tpu7x:2x2x1
jax: 0.10.2.dev20260603
libtpu: 0.0.44.dev20260713+nightly
codegen_flags: <defaults>
</compile_context>

<pallas_src>
import functools

import jax
import jax.numpy as jnp
from jax import lax
from jax.experimental import pallas as pl
from jax.experimental.pallas import tpu as pltpu
from jax.experimental.pallas import tpu_sc as plsc

_NC = 2
_NS = 16
_NW = _NC * _NS
_CH = 128


def _project_kernel(f_ref, w_ref, b_ref, y_ref):
    y = jnp.dot(f_ref[...], w_ref[...],
                preferred_element_type=jnp.float32,
                precision=lax.Precision.DEFAULT)
    y = y + b_ref[...]
    nk, _, d = y_ref.shape
    for k in range(nk):
        y_ref[k] = y[:, k * d:(k + 1) * d]


def _build_table(feat, w_cat, b_cat, nk, bn):
    n, in_feat = feat.shape
    kout = w_cat.shape[1]
    d = kout // nk
    return pl.pallas_call(
        _project_kernel,
        grid=(n // bn,),
        in_specs=[
            pl.BlockSpec((bn, in_feat), lambda i: (i, 0)),
            pl.BlockSpec((in_feat, kout), lambda i: (0, 0)),
            pl.BlockSpec((1, kout), lambda i: (0, 0)),
        ],
        out_specs=pl.BlockSpec((nk, bn, d), lambda i: (0, i, 0)),
        out_shape=jax.ShapeDtypeStruct((nk, n, d), jnp.float32),
    )(feat, w_cat, b_cat)


def _combine_kernel(p_ref, o_ref):
    o_ref[...] = p_ref[0] + p_ref[1]


def _combine(partials, n, bn):
    out_feat = partials.shape[2]
    return pl.pallas_call(
        _combine_kernel,
        grid=(n // bn,),
        in_specs=[pl.BlockSpec((2, bn, out_feat), lambda i: (0, i, 0))],
        out_specs=pl.BlockSpec((bn, out_feat), lambda i: (i, 0)),
        out_shape=jax.ShapeDtypeStruct((n, out_feat), jnp.float32),
    )(partials)


def _make_edge_kernel(out_feat, nch, acc_rows, rows_per_tile):
    mesh = plsc.VectorSubcoreMesh(core_axis_name="c", subcore_axis_name="s")

    @functools.partial(
        pl.kernel,
        mesh=mesh,
        out_type=jax.ShapeDtypeStruct((_NC, acc_rows, out_feat), jnp.float32),
        scratch_types=[
            pltpu.VMEM((nch, _CH), jnp.int32),
            pltpu.VMEM((nch, _CH), jnp.int32),
            pltpu.VMEM((_CH, out_feat), jnp.float32),
            pltpu.VMEM_SHARED((acc_rows, out_feat), jnp.float32),
            pltpu.SemaphoreType.DMA,
        ],
    )
    def edge_kernel(table_hbm, gidx_hbm, didx_hbm, zeros_hbm, out_hbm,
                    gidx_v, didx_v, rows0, acc, sem0):
        c = lax.axis_index("c")
        s = lax.axis_index("s")
        wid = s * _NC + c

        z0 = s * rows_per_tile
        pltpu.sync_copy(zeros_hbm.at[pl.ds(0, rows_per_tile)],
                        acc.at[pl.ds(z0, rows_per_tile)])
        pltpu.sync_copy(gidx_hbm.at[wid], gidx_v)
        pltpu.sync_copy(didx_hbm.at[wid], didx_v)
        plsc.subcore_barrier()

        def body(j, carry):
            pltpu.async_copy(table_hbm.at[gidx_v.at[j]], rows0, sem0).wait()
            pltpu.sync_copy(rows0, acc.at[didx_v.at[j]], add=True)
            return carry

        lax.fori_loop(0, nch, body, 0)
        plsc.subcore_barrier()

        r0 = s * rows_per_tile
        pltpu.sync_copy(acc.at[pl.ds(r0, rows_per_tile)],
                        out_hbm.at[c, pl.ds(r0, rows_per_tile)])

    return edge_kernel


def kernel(feat, edge_index, etypes, ntypes, weight, m_bias, loop_weight, h_bias):
    n, in_feat = feat.shape
    num_rels, _, out_feat = weight.shape
    num_nt = loop_weight.shape[0]
    e = edge_index.shape[1]

    nk = num_rels + num_nt
    w_cat = jnp.concatenate([weight, loop_weight], axis=0)
    w_cat = w_cat.transpose(1, 0, 2).reshape(in_feat, nk * out_feat)
    b_cat = jnp.concatenate([m_bias, h_bias[:, 0, :]], axis=0).reshape(1, -1)

    src = edge_index[0].astype(jnp.int32)
    dst = edge_index[1].astype(jnp.int32)
    node_ids = jnp.arange(n, dtype=jnp.int32)

    rows_per_tile = -(-(-(-n // _NS)) // 8) * 8
    acc_rows = _NS * rows_per_tile
    zeros = jnp.zeros((rows_per_tile, out_feat), jnp.float32)

    def _padg(p):
        return (jnp.arange(p, dtype=jnp.int32) * 97) % (nk * n)

    def _shard(g, d, per_w):
        total = _NW * per_w
        p = total - g.shape[0]
        g = jnp.concatenate([g, _padg(p)]) if p else g
        d = jnp.concatenate(
            [d, n + jnp.arange(p, dtype=jnp.int32) % (acc_rows - n)]) if p else d
        return g.reshape(_NW, per_w), d.reshape(_NW, per_w)

    rpw = -(-e // _NW)
    vpw = -(-n // _NW)
    pw = -(-(rpw + vpw) // (2 * _CH)) * 2 * _CH
    nch = pw // _CH
    rg, rd = _shard(etypes.astype(jnp.int32) * n + src, dst, rpw)
    vg, vd = _shard((num_rels + ntypes.astype(jnp.int32)) * n + node_ids,
                    node_ids, vpw)
    tail = pw - rpw - vpw
    tg = _padg(_NW * tail).reshape(_NW, tail)
    td = jnp.broadcast_to(
        n + jnp.arange(tail, dtype=jnp.int32) % (acc_rows - n), (_NW, tail))
    gidx = jnp.concatenate([rg, vg, tg], axis=1).reshape(_NW, nch, _CH)
    didx = jnp.concatenate([rd, vd, td], axis=1).reshape(_NW, nch, _CH)

    table = _build_table(feat, w_cat, b_cat, nk, bn=2000).reshape(-1, out_feat)

    edge_kernel = _make_edge_kernel(out_feat, nch, acc_rows, rows_per_tile)
    partials = edge_kernel(table, gidx, didx, zeros)

    out = _combine(partials, n, bn=1000)
    return out[:, None, :]

# --- scband reference (transcript-rebuilt; emitter-appended) ---
"""Pipeline reference for scband-fam-gnnlayer-noatte-19112604467473 (READ-ONLY COPY).

The authoritative reference and input builder live on the scoring server;
editing this copy changes nothing except your own understanding.
"""

import jax, jax.numpy as jnp
import numpy as np

N = 10000
E = 320000
IN_FEAT = 128
OUT_FEAT = 128
NUM_RELS = 8
NUM_NTYPES = 4


def setup_inputs(seed: int = 0) -> dict:
    key = jax.random.key(seed)
    ks = jax.random.split(key, 8)
    feat = jax.random.normal(ks[0], (N, IN_FEAT), dtype=jnp.float32)
    edge_index = jax.random.randint(ks[1], (2, E), 0, N)
    etypes = jax.random.randint(ks[2], (E,), 0, NUM_RELS)
    ntypes = jax.random.randint(ks[3], (N,), 0, NUM_NTYPES)
    # xavier_uniform with tanh gain
    gain = float(np.sqrt(5.0 / 3.0))
    bound = gain * float(np.sqrt(6.0 / (IN_FEAT + OUT_FEAT)))
    weight = jax.random.uniform(ks[4], (NUM_RELS, IN_FEAT, OUT_FEAT), dtype=jnp.float32, minval=-bound, maxval=bound)
    loop_weight = jax.random.uniform(ks[5], (NUM_NTYPES, IN_FEAT, OUT_FEAT), dtype=jnp.float32, minval=-bound, maxval=bound)
    m_bias = jnp.zeros((NUM_RELS, OUT_FEAT), dtype=jnp.float32)
    h_bias = jnp.zeros((NUM_NTYPES, 1, OUT_FEAT), dtype=jnp.float32)
    return {
        "feat": feat,
        "edge_index": edge_index,
        "etypes": etypes,
        "ntypes": ntypes,
        "weight": weight,
        "m_bias": m_bias,
        "loop_weight": loop_weight,
        "h_bias": h_bias,
    }


def reference(feat, edge_index, etypes, ntypes, weight, m_bias, loop_weight, h_bias):
    # message: msg_e = feat[src_e] @ weight[etype_e] + m_bias[etype_e]
    src = edge_index[0]
    dst = edge_index[1]
    x_src = jnp.take(feat, src, axis=0)  # [E, in]
    num_rels = weight.shape[0]
    msg = jnp.zeros((x_src.shape[0], weight.shape[2]), dtype=feat.dtype)
    for r in range(num_rels):
        mask = (etypes == r).astype(feat.dtype)[:, None]
        msg = msg + mask * (x_src @ weight[r] + m_bias[r][None, :])
    # update_all(sum): aggregate messages by destination node
    agg = jax.ops.segment_sum(msg, dst, num_segments=feat.shape[0])  # [N, out]
    # self-loop term: bmm(feat[N,1,in], loop_weight[ntypes]) + h_bias[ntypes]
    num_ntypes = loop_weight.shape[0]
    loop_value = jnp.zeros((feat.shape[0], loop_weight.shape[2]), dtype=feat.dtype)
    for t in range(num_ntypes):
        maskn = (ntypes == t).astype(feat.dtype)[:, None]
        loop_value = loop_value + maskn * (feat @ loop_weight[t] + h_bias[t, 0][None, :])
    h = agg + loop_value  # [N, out]
    return h[:, None, :]  # [N, 1, out], matching torch output shape

if __name__ == "__main__":
    import jax
    _d = setup_inputs()
    print(jax.jit(kernel)(*tuple(_d.values())))

</pallas_src>

<mosaic_0001>
#map = affine_map<(d0, d1) -> (0, 0)>
#map1 = affine_map<(d0, d1) -> (0, 0, 0)>
module attributes {stable_mosaic.version = 14 : i64} {
  func.func @edge_kernel(%arg0: i32, %arg1: i32, %arg2: memref<120000x128xf32, #tpu.memory_space<hbm>>, %arg3: memref<32x82x128xi32, #tpu.memory_space<hbm>>, %arg4: memref<32x82x128xi32, #tpu.memory_space<hbm>>, %arg5: memref<632x128xf32, #tpu.memory_space<hbm>>, %arg6: memref<2x10112x128xf32, #tpu.memory_space<hbm>>, %arg7: memref<82x128xi32, #tpu.memory_space<vmem>>, %arg8: memref<82x128xi32, #tpu.memory_space<vmem>>, %arg9: memref<128x128xf32, #tpu.memory_space<vmem>>, %arg10: memref<10112x128xf32, #tpu.memory_space<vmem_shared>>, %arg11: memref<!tpu.dma_semaphore, #tpu.memory_space<semaphore_mem>>) attributes {dimension_semantics = [#tpu.dimension_semantics<core_parallel>, #tpu.dimension_semantics<subcore_parallel>], iteration_bounds = array<i64: 2, 16>, scalar_prefetch = 0 : i64, scratch_operands = 5 : i64, tpu.core_type = #tpu.core_type<sc_vector_subcore>, window_params = [{transform_indices = #map}, {transform_indices = #map1}, {transform_indices = #map1}, {transform_indices = #map}, {transform_indices = #map1}]} {
    %mul3A = arith.constant 2 : i32
    %mul3A_0 = arith.muli %arg1, %mul3A : i32
    %add3A = arith.addi %mul3A_0, %arg0 : i32
    %mul3A_1 = arith.constant 632 : i32
    %mul3A_2 = arith.muli %arg1, %mul3A_1 : i32
    "tpu.region"() ({
      %run_scoped3A = tpu.sem_alloc : memref<!tpu.dma_semaphore, #tpu.memory_space<semaphore_mem>>
      %dma_start3A = arith.constant 0 : i32
      %dma_start3A_11 = tpu.memref_slice %arg10[%mul3A_2, %dma_start3A] : memref<10112x128xf32, #tpu.memory_space<vmem_shared>> -> memref<632x128xf32, #tpu.memory_space<vmem_shared>>
      %dma_start3A_12 = arith.constant 0 : i32
      %dma_start3A_13 = arith.constant 0 : i32
      %dma_start3A_14 = tpu.memref_slice %arg5[%dma_start3A_12, %dma_start3A_13] : memref<632x128xf32, #tpu.memory_space<hbm>> -> memref<632x128xf32, #tpu.memory_space<hbm>>
      tpu.enqueue_dma source(%dma_start3A_14 : memref<632x128xf32, #tpu.memory_space<hbm>>) target(%dma_start3A_11 : memref<632x128xf32, #tpu.memory_space<vmem_shared>>) target_semaphore(%run_scoped3A : memref<!tpu.dma_semaphore, #tpu.memory_space<semaphore_mem>>)
      %dma_wait3A = arith.constant 0 : i32
      %dma_wait3A_15 = tpu.memref_slice %arg10[%mul3A_2, %dma_wait3A] : memref<10112x128xf32, #tpu.memory_space<vmem_shared>> -> memref<632x128xf32, #tpu.memory_space<vmem_shared>>
      %dma_wait3A_16 = arith.constant 0 : i32
      %dma_wait3A_17 = arith.constant 0 : i32
      %dma_wait3A_18 = tpu.memref_slice %arg5[%dma_wait3A_16, %dma_wait3A_17] : memref<632x128xf32, #tpu.memory_space<hbm>> -> memref<632x128xf32, #tpu.memory_space<hbm>>
      tpu.wait_dma2 semaphore(%run_scoped3A : memref<!tpu.dma_semaphore, #tpu.memory_space<semaphore_mem>>) src(%dma_wait3A_18 : memref<632x128xf32, #tpu.memory_space<hbm>>) dst(%dma_wait3A_15 : memref<632x128xf32, #tpu.memory_space<vmem_shared>>)
      tpu.yield
    }) : () -> ()
    "tpu.region"() ({
      %run_scoped3A = tpu.sem_alloc : memref<!tpu.dma_semaphore, #tpu.memory_space<semaphore_mem>>
      %dma_start3A = arith.constant 0 : i32
      %dma_start3A_11 = arith.constant 0 : i32
      %dma_start3A_12 = tpu.memref_slice %arg3[%add3A, %dma_start3A, %dma_start3A_11] : memref<32x82x128xi32, #tpu.memory_space<hbm>> -> memref<1x82x128xi32, #tpu.memory_space<hbm>>
      %dma_start3A_13 = tpu.memref_squeeze %dma_start3A_12 : memref<1x82x128xi32, #tpu.memory_space<hbm>> -> memref<82x128xi32, #tpu.memory_space<hbm>>
      %dma_start3A_14 = arith.constant 0 : i32
      %dma_start3A_15 = arith.constant 0 : i32
      %dma_start3A_16 = tpu.memref_slice %arg3[%add3A, %dma_start3A_14, %dma_start3A_15] : memref<32x82x128xi32, #tpu.memory_space<hbm>> -> memref<1x82x128xi32, #tpu.memory_space<hbm>>
      %dma_start3A_17 = tpu.memref_squeeze %dma_start3A_16 : memref<1x82x128xi32, #tpu.memory_space<hbm>> -> memref<82x128xi32, #tpu.memory_space<hbm>>
      tpu.enqueue_dma source(%dma_start3A_17 : memref<82x128xi32, #tpu.memory_space<hbm>>) target(%arg7 : memref<82x128xi32, #tpu.memory_space<vmem>>) target_semaphore(%run_scoped3A : memref<!tpu.dma_semaphore, #tpu.memory_space<semaphore_mem>>)
      %dma_wait3A = arith.constant 0 : i32
      %dma_wait3A_18 = arith.constant 0 : i32
      %dma_wait3A_19 = tpu.memref_slice %arg3[%add3A, %dma_wait3A, %dma_wait3A_18] : memref<32x82x128xi32, #tpu.memory_space<hbm>> -> memref<1x82x128xi32, #tpu.memory_space<hbm>>
      %dma_wait3A_20 = tpu.memref_squeeze %dma_wait3A_19 : memref<1x82x128xi32, #tpu.memory_space<hbm>> -> memref<82x128xi32, #tpu.memory_space<hbm>>
      %dma_wait3A_21 = arith.constant 0 : i32
      %dma_wait3A_22 = arith.constant 0 : i32
      %dma_wait3A_23 = tpu.memref_slice %arg3[%add3A, %dma_wait3A_21, %dma_wait3A_22] : memref<32x82x128xi32, #tpu.memory_space<hbm>> -> memref<1x82x128xi32, #tpu.memory_space<hbm>>
      %dma_wait3A_24 = tpu.memref_squeeze %dma_wait3A_23 : memref<1x82x128xi32, #tpu.memory_space<hbm>> -> memref<82x128xi32, #tpu.memory_space<hbm>>
      tpu.wait_dma2 semaphore(%run_scoped3A : memref<!tpu.dma_semaphore, #tpu.memory_space<semaphore_mem>>) src(%dma_wait3A_24 : memref<82x128xi32, #tpu.memory_space<hbm>>) dst(%arg7 : memref<82x128xi32, #tpu.memory_space<vmem>>)
      tpu.yield
    }) : () -> ()
    "tpu.region"() ({
      %run_scoped3A = tpu.sem_alloc : memref<!tpu.dma_semaphore, #tpu.memory_space<semaphore_mem>>
      %dma_start3A = arith.constant 0 : i32
      %dma_start3A_11 = arith.constant 0 : i32
      %dma_start3A_12 = tpu.memref_slice %arg4[%add3A, %dma_start3A, %dma_start3A_11] : memref<32x82x128xi32, #tpu.memory_space<hbm>> -> memref<1x82x128xi32, #tpu.memory_space<hbm>>
      %dma_start3A_13 = tpu.memref_squeeze %dma_start3A_12 : memref<1x82x128xi32, #tpu.memory_space<hbm>> -> memref<82x128xi32, #tpu.memory_space<hbm>>
      %dma_start3A_14 = arith.constant 0 : i32
      %dma_start3A_15 = arith.constant 0 : i32
      %dma_start3A_16 = tpu.memref_slice %arg4[%add3A, %dma_start3A_14, %dma_start3A_15] : memref<32x82x128xi32, #tpu.memory_space<hbm>> -> memref<1x82x128xi32, #tpu.memory_space<hbm>>
      %dma_start3A_17 = tpu.memref_squeeze %dma_start3A_16 : memref<1x82x128xi32, #tpu.memory_space<hbm>> -> memref<82x128xi32, #tpu.memory_space<hbm>>
      tpu.enqueue_dma source(%dma_start3A_17 : memref<82x128xi32, #tpu.memory_space<hbm>>) target(%arg8 : memref<82x128xi32, #tpu.memory_space<vmem>>) target_semaphore(%run_scoped3A : memref<!tpu.dma_semaphore, #tpu.memory_space<semaphore_mem>>)
      %dma_wait3A = arith.constant 0 : i32
      %dma_wait3A_18 = arith.constant 0 : i32
      %dma_wait3A_19 = tpu.memref_slice %arg4[%add3A, %dma_wait3A, %dma_wait3A_18] : memref<32x82x128xi32, #tpu.memory_space<hbm>> -> memref<1x82x128xi32, #tpu.memory_space<hbm>>
      %dma_wait3A_20 = tpu.memref_squeeze %dma_wait3A_19 : memref<1x82x128xi32, #tpu.memory_space<hbm>> -> memref<82x128xi32, #tpu.memory_space<hbm>>
      %dma_wait3A_21 = arith.constant 0 : i32
      %dma_wait3A_22 = arith.constant 0 : i32
      %dma_wait3A_23 = tpu.memref_slice %arg4[%add3A, %dma_wait3A_21, %dma_wait3A_22] : memref<32x82x128xi32, #tpu.memory_space<hbm>> -> memref<1x82x128xi32, #tpu.memory_space<hbm>>
      %dma_wait3A_24 = tpu.memref_squeeze %dma_wait3A_23 : memref<1x82x128xi32, #tpu.memory_space<hbm>> -> memref<82x128xi32, #tpu.memory_space<hbm>>
      tpu.wait_dma2 semaphore(%run_scoped3A : memref<!tpu.dma_semaphore, #tpu.memory_space<semaphore_mem>>) src(%dma_wait3A_24 : memref<82x128xi32, #tpu.memory_space<hbm>>) dst(%arg8 : memref<82x128xi32, #tpu.memory_space<vmem>>)
      tpu.yield
    }) : () -> ()
    %barrier3A = arith.constant 0 : index
    tpu.barrier barrier_id(%barrier3A)
    %scan3A = arith.constant 0 : i32
    %scan3A_3 = arith.constant 0 : i32
    %scan3A_4 = arith.constant 82 : i32
    %scan3A_5 = arith.addi %scan3A_3, %scan3A_4 : i32
    %scan3A_6 = arith.constant 1 : i32
    scf.for %scan3A_11 = %scan3A_3 to %scan3A_5 step %scan3A_6  : i32 {
      %dma_start3A = arith.constant 0 : i32
      %dma_start3A_12 = tpu.memref_slice %arg7[%scan3A_11, %dma_start3A] : memref<82x128xi32, #tpu.memory_space<vmem>> -> memref<1x128xi32, #tpu.memory_space<vmem>>
      %dma_start3A_13 = tpu.memref_squeeze %dma_start3A_12 : memref<1x128xi32, #tpu.memory_space<vmem>> -> memref<128xi32, #tpu.memory_space<vmem>>
      %dma_start3A_14 = arith.constant 0 : i32
      %dma_start3A_15 = arith.constant 0 : i32
      %dma_start3A_16 = tpu.memref_slice %arg2[%dma_start3A_14, %dma_start3A_15] : memref<120000x128xf32, #tpu.memory_space<hbm>> -> memref<120000x128xf32, #tpu.memory_space<hbm>>
      tpu.enqueue_indirect_dma source(%dma_start3A_16 : memref<120000x128xf32, #tpu.memory_space<hbm>>) target(%arg9 : memref<128x128xf32, #tpu.memory_space<vmem>>) offsets(%dma_start3A_13 : memref<128xi32, #tpu.memory_space<vmem>>) semaphore(%arg11 : memref<!tpu.dma_semaphore, #tpu.memory_space<semaphore_mem>>)
      %dma_wait3A = arith.constant 0 : i32
      %dma_wait3A_17 = tpu.memref_slice %arg7[%scan3A_11, %dma_wait3A] : memref<82x128xi32, #tpu.memory_space<vmem>> -> memref<1x128xi32, #tpu.memory_space<vmem>>
      %dma_wait3A_18 = tpu.memref_squeeze %dma_wait3A_17 : memref<1x128xi32, #tpu.memory_space<vmem>> -> memref<128xi32, #tpu.memory_space<vmem>>
      %dma_wait3A_19 = arith.constant 0 : i32
      %dma_wait3A_20 = arith.constant 0 : i32
      %dma_wait3A_21 = tpu.memref_slice %arg2[%dma_wait3A_19, %dma_wait3A_20] : memref<120000x128xf32, #tpu.memory_space<hbm>> -> memref<120000x128xf32, #tpu.memory_space<hbm>>
      tpu.wait_indirect_dma semaphore(%arg11 : memref<!tpu.dma_semaphore, #tpu.memory_space<semaphore_mem>>) src(%dma_wait3A_21 : memref<120000x128xf32, #tpu.memory_space<hbm>>) dst(%arg9 : memref<128x128xf32, #tpu.memory_space<vmem>>)
      "tpu.region"() ({
        %run_scoped3A = tpu.sem_alloc : memref<!tpu.dma_semaphore, #tpu.memory_space<semaphore_mem>>
        %dma_start3A_22 = arith.constant 0 : i32
        %dma_start3A_23 = tpu.memref_slice %arg8[%scan3A_11, %dma_start3A_22] : memref<82x128xi32, #tpu.memory_space<vmem>> -> memref<1x128xi32, #tpu.memory_space<vmem>>
        %dma_start3A_24 = tpu.memref_squeeze %dma_start3A_23 : memref<1x128xi32, #tpu.memory_space<vmem>> -> memref<128xi32, #tpu.memory_space<vmem>>
        %dma_start3A_25 = arith.constant 0 : i32
        %dma_start3A_26 = arith.constant 0 : i32
        %dma_start3A_27 = tpu.memref_slice %arg10[%dma_start3A_25, %dma_start3A_26] : memref<10112x128xf32, #tpu.memory_space<vmem_shared>> -> memref<10112x128xf32, #tpu.memory_space<vmem_shared>>
        tpu.enqueue_indirect_dma source(%arg9 : memref<128x128xf32, #tpu.memory_space<vmem>>) target(%dma_start3A_27 : memref<10112x128xf32, #tpu.memory_space<vmem_shared>>) offsets(%dma_start3A_24 : memref<128xi32, #tpu.memory_space<vmem>>) semaphore(%run_scoped3A : memref<!tpu.dma_semaphore, #tpu.memory_space<semaphore_mem>>) {add = true}
        %dma_wait3A_28 = arith.constant 0 : i32
        %dma_wait3A_29 = tpu.memref_slice %arg8[%scan3A_11, %dma_wait3A_28] : memref<82x128xi32, #tpu.memory_space<vmem>> -> memref<1x128xi32, #tpu.memory_space<vmem>>
        %dma_wait3A_30 = tpu.memref_squeeze %dma_wait3A_29 : memref<1x128xi32, #tpu.memory_space<vmem>> -> memref<128xi32, #tpu.memory_space<vmem>>
        %dma_wait3A_31 = arith.constant 0 : i32
        %dma_wait3A_32 = arith.constant 0 : i32
        %dma_wait3A_33 = tpu.memref_slice %arg10[%dma_wait3A_31, %dma_wait3A_32] : memref<10112x128xf32, #tpu.memory_space<vmem_shared>> -> memref<10112x128xf32, #tpu.memory_space<vmem_shared>>
        tpu.wait_indirect_dma semaphore(%run_scoped3A : memref<!tpu.dma_semaphore, #tpu.memory_space<semaphore_mem>>) src(%arg9 : memref<128x128xf32, #tpu.memory_space<vmem>>) dst(%dma_wait3A_33 : memref<10112x128xf32, #tpu.memory_space<vmem_shared>>)
        tpu.yield
      }) : () -> ()
    }
    %scan3A_7 = arith.constant 82 : i32
    %barrier3A_8 = arith.constant 0 : index
    tpu.barrier barrier_id(%barrier3A_8)
    %mul3A_9 = arith.constant 632 : i32
    %mul3A_10 = arith.muli %arg1, %mul3A_9 : i32
    "tpu.region"() ({
      %run_scoped3A = tpu.sem_alloc : memref<!tpu.dma_semaphore, #tpu.memory_space<semaphore_mem>>
      %dma_start3A = arith.constant 0 : i32
      %dma_start3A_11 = tpu.memref_slice %arg6[%arg0, %mul3A_10, %dma_start3A] : memref<2x10112x128xf32, #tpu.memory_space<hbm>> -> memref<1x632x128xf32, #tpu.memory_space<hbm>>
      %dma_start3A_12 = tpu.memref_squeeze %dma_start3A_11 : memref<1x632x128xf32, #tpu.memory_space<hbm>> -> memref<632x128xf32, #tpu.memory_space<hbm>>
      %dma_start3A_13 = arith.constant 0 : i32
      %dma_start3A_14 = tpu.memref_slice %arg10[%mul3A_10, %dma_start3A_13] : memref<10112x128xf32, #tpu.memory_space<vmem_shared>> -> memref<632x128xf32, #tpu.memory_space<vmem_shared>>
      tpu.enqueue_dma source(%dma_start3A_14 : memref<632x128xf32, #tpu.memory_space<vmem_shared>>) target(%dma_start3A_12 : memref<632x128xf32, #tpu.memory_space<hbm>>) target_semaphore(%run_scoped3A : memref<!tpu.dma_semaphore, #tpu.memory_space<semaphore_mem>>)
      %dma_wait3A = arith.constant 0 : i32
      %dma_wait3A_15 = tpu.memref_slice %arg6[%arg0, %mul3A_10, %dma_wait3A] : memref<2x10112x128xf32, #tpu.memory_space<hbm>> -> memref<1x632x128xf32, #tpu.memory_space<hbm>>
      %dma_wait3A_16 = tpu.memref_squeeze %dma_wait3A_15 : memref<1x632x128xf32, #tpu.memory_space<hbm>> -> memref<632x128xf32, #tpu.memory_space<hbm>>
      %dma_wait3A_17 = arith.constant 0 : i32
      %dma_wait3A_18 = tpu.memref_slice %arg10[%mul3A_10, %dma_wait3A_17] : memref<10112x128xf32, #tpu.memory_space<vmem_shared>> -> memref<632x128xf32, #tpu.memory_space<vmem_shared>>
      tpu.wait_dma2 semaphore(%run_scoped3A : memref<!tpu.dma_semaphore, #tpu.memory_space<semaphore_mem>>) src(%dma_wait3A_18 : memref<632x128xf32, #tpu.memory_space<vmem_shared>>) dst(%dma_wait3A_16 : memref<632x128xf32, #tpu.memory_space<hbm>>)
      tpu.yield
    }) : () -> ()
    return
  }
}

module attributes {stable_mosaic.version = 14 : i64} {
  func.func @_project_kernel(%arg0: i32, %arg1: memref<2000x128xf32, #tpu.memory_space<vmem>>, %arg2: memref<128x1536xf32, #tpu.memory_space<vmem>>, %arg3: memref<1x1536xf32, #tpu.memory_space<vmem>>, %arg4: memref<12x2000x128xf32, #tpu.memory_space<vmem>>) attributes {dimension_semantics = [#tpu.dimension_semantics<arbitrary>], iteration_bounds = array<i64: 5>, scalar_prefetch = 0 : i64, scratch_operands = 0 : i64, tpu.core_type = #tpu.core_type<tc>, window_params = [{transform_indices = @transform_0, window_bounds = array<i64: 2000, 128>}, {pipeline_mode = #tpu.pipeline_mode<synchronous>, transform_indices = @transform_1, window_bounds = array<i64: 128, 1536>}, {pipeline_mode = #tpu.pipeline_mode<synchronous>, transform_indices = @transform_2, window_bounds = array<i64: 1, 1536>}, {transform_indices = @transform_3, window_bounds = array<i64: 12, 2000, 128>}]} {
    %get3A = arith.constant 0 : index
    %get3A_0 = arith.constant 0 : index
    %get3A_1 = vector.load %arg1[%get3A, %get3A_0] : memref<2000x128xf32, #tpu.memory_space<vmem>>, vector<2000x128xf32>
    %get3A_2 = arith.constant 0 : index
    %get3A_3 = arith.constant 0 : index
    %get3A_4 = vector.load %arg2[%get3A_2, %get3A_3] : memref<128x1536xf32, #tpu.memory_space<vmem>>, vector<128x1536xf32>
    %dot_general3A = arith.constant dense<0.000000e+00> : vector<2000x1536xf32>
    %dot_general3A_5 = tpu.matmul %get3A_1, %get3A_4, %dot_general3A {dimension_numbers = #tpu.dot_dimension_numbers<[1], [0], [0], [1], [0, 0, 1, 1], [], []>, transpose_lhs_hint = false} : vector<2000x128xf32>, vector<128x1536xf32>, vector<2000x1536xf32> -> vector<2000x1536xf32>
    %get3A_6 = arith.constant 0 : index
    %get3A_7 = arith.constant 0 : index
    %get3A_8 = vector.load %arg3[%get3A_6, %get3A_7] : memref<1x1536xf32, #tpu.memory_space<vmem>>, vector<1x1536xf32>
    %add3A = vector.broadcast %get3A_8 : vector<1x1536xf32> to vector<2000x1536xf32>
    %add3A_9 = arith.addf %dot_general3A_5, %add3A : vector<2000x1536xf32>
    %slice3A = vector.extract_strided_slice %add3A_9 {offsets = [0, 0], sizes = [2000, 128], strides = [1, 1]} : vector<2000x1536xf32> to vector<2000x128xf32>
    %swap3A = arith.constant 0 : index
    %swap3A_10 = arith.constant 0 : index
    %swap3A_11 = arith.constant 0 : index
    %swap3A_12 = vector.load %arg4[%swap3A, %swap3A_10, %swap3A_11] : memref<12x2000x128xf32, #tpu.memory_space<vmem>>, vector<1x2000x128xf32>
    %swap3A_13 = vector.shape_cast %swap3A_12 : vector<1x2000x128xf32> to vector<2000x128xf32>
    %swap3A_14 = vector.shape_cast %slice3A : vector<2000x128xf32> to vector<1x2000x128xf32>
    tpu.vector_store %arg4[%swap3A, %swap3A_10, %swap3A_11], %swap3A_14 {strides = array<i32>} : memref<12x2000x128xf32, #tpu.memory_space<vmem>>, vector<1x2000x128xf32>,
    %slice3A_15 = vector.extract_strided_slice %add3A_9 {offsets = [0, 128], sizes = [2000, 128], strides = [1, 1]} : vector<2000x1536xf32> to vector<2000x128xf32>
    %swap3A_16 = arith.constant 1 : index
    %swap3A_17 = arith.constant 0 : index
    %swap3A_18 = arith.constant 0 : index
    %swap3A_19 = vector.load %arg4[%swap3A_16, %swap3A_17, %swap3A_18] : memref<12x2000x128xf32, #tpu.memory_space<vmem>>, vector<1x2000x128xf32>
    %swap3A_20 = vector.shape_cast %swap3A_19 : vector<1x2000x128xf32> to vector<2000x128xf32>
    %swap3A_21 = vector.shape_cast %slice3A_15 : vector<2000x128xf32> to vector<1x2000x128xf32>
    tpu.vector_store %arg4[%swap3A_16, %swap3A_17, %swap3A_18], %swap3A_21 {strides = array<i32>} : memref<12x2000x128xf32, #tpu.memory_space<vmem>>, vector<1x2000x128xf32>,
    %slice3A_22 = vector.extract_strided_slice %add3A_9 {offsets = [0, 256], sizes = [2000, 128], strides = [1, 1]} : vector<2000x1536xf32> to vector<2000x128xf32>
    %swap3A_23 = arith.constant 2 : index
    %swap3A_24 = arith.constant 0 : index
    %swap3A_25 = arith.constant 0 : index
    %swap3A_26 = vector.load %arg4[%swap3A_23, %swap3A_24, %swap3A_25] : memref<12x2000x128xf32, #tpu.memory_space<vmem>>, vector<1x2000x128xf32>
    %swap3A_27 = vector.shape_cast %swap3A_26 : vector<1x2000x128xf32> to vector<2000x128xf32>
    %swap3A_28 = vector.shape_cast %slice3A_22 : vector<2000x128xf32> to vector<1x2000x128xf32>
    tpu.vector_store %arg4[%swap3A_23, %swap3A_24, %swap3A_25], %swap3A_28 {strides = array<i32>} : memref<12x2000x128xf32, #tpu.memory_space<vmem>>, vector<1x2000x128xf32>,
    %slice3A_29 = vector.extract_strided_slice %add3A_9 {offsets = [0, 384], sizes = [2000, 128], strides = [1, 1]} : vector<2000x1536xf32> to vector<2000x128xf32>
    %swap3A_30 = arith.constant 3 : index
    %swap3A_31 = arith.constant 0 : index
    %swap3A_32 = arith.constant 0 : index
    %swap3A_33 = vector.load %arg4[%swap3A_30, %swap3A_31, %swap3A_32] : memref<12x2000x128xf32, #tpu.memory_space<vmem>>, vector<1x2000x128xf32>
    %swap3A_34 = vector.shape_cast %swap3A_33 : vector<1x2000x128xf32> to vector<2000x128xf32>
    %swap3A_35 = vector.shape_cast %slice3A_29 : vector<2000x128xf32> to vector<1x2000x128xf32>
    tpu.vector_store %arg4[%swap3A_30, %swap3A_31, %swap3A_32], %swap3A_35 {strides = array<i32>} : memref<12x2000x128xf32, #tpu.memory_space<vmem>>, vector<1x2000x128xf32>,
    %slice3A_36 = vector.extract_strided_slice %add3A_9 {offsets = [0, 512], sizes = [2000, 128], strides = [1, 1]} : vector<2000x1536xf32> to vector<2000x128xf32>
    %swap3A_37 = arith.constant 4 : index
    %swap3A_38 = arith.constant 0 : index
    %swap3A_39 = arith.constant 0 : index
    %swap3A_40 = vector.load %arg4[%swap3A_37, %swap3A_38, %swap3A_39] : memref<12x2000x128xf32, #tpu.memory_space<vmem>>, vector<1x2000x128xf32>
    %swap3A_41 = vector.shape_cast %swap3A_40 : vector<1x2000x128xf32> to vector<2000x128xf32>
    %swap3A_42 = vector.shape_cast %slice3A_36 : vector<2000x128xf32> to vector<1x2000x128xf32>
    tpu.vector_store %arg4[%swap3A_37, %swap3A_38, %swap3A_39], %swap3A_42 {strides = array<i32>} : memref<12x2000x128xf32, #tpu.memory_space<vmem>>, vector<1x2000x128xf32>,
    %slice3A_43 = vector.extract_strided_slice %add3A_9 {offsets = [0, 640], sizes = [2000, 128], strides = [1, 1]} : vector<2000x1536xf32> to vector<2000x128xf32>
    %swap3A_44 = arith.constant 5 : index
    %swap3A_45 = arith.constant 0 : index
    %swap3A_46 = arith.constant 0 : index
    %swap3A_47 = vector.load %arg4[%swap3A_44, %swap3A_45, %swap3A_46] : memref<12x2000x128xf32, #tpu.memory_space<vmem>>, vector<1x2000x128xf32>
    %swap3A_48 = vector.shape_cast %swap3A_47 : vector<1x2000x128xf32> to vector<2000x128xf32>
    %swap3A_49 = vector.shape_cast %slice3A_43 : vector<2000x128xf32> to vector<1x2000x128xf32>
    tpu.vector_store %arg4[%swap3A_44, %swap3A_45, %swap3A_46], %swap3A_49 {strides = array<i32>} : memref<12x2000x128xf32, #tpu.memory_space<vmem>>, vector<1x2000x128xf32>,
    %slice3A_50 = vector.extract_strided_slice %add3A_9 {offsets = [0, 768], sizes = [2000, 128], strides = [1, 1]} : vector<2000x1536xf32> to vector<2000x128xf32>
    %swap3A_51 = arith.constant 6 : index
    %swap3A_52 = arith.constant 0 : index
    %swap3A_53 = arith.constant 0 : index
    %swap3A_54 = vector.load %arg4[%swap3A_51, %swap3A_52, %swap3A_53] : memref<12x2000x128xf32, #tpu.memory_space<vmem>>, vector<1x2000x128xf32>
    %swap3A_55 = vector.shape_cast %swap3A_54 : vector<1x2000x128xf32> to vector<2000x128xf32>
    %swap3A_56 = vector.shape_cast %slice3A_50 : vector<2000x128xf32> to vector<1x2000x128xf32>
    tpu.vector_store %arg4[%swap3A_51, %swap3A_52, %swap3A_53], %swap3A_56 {strides = array<i32>} : memref<12x2000x128xf32, #tpu.memory_space<vmem>>, vector<1x2000x128xf32>,
    %slice3A_57 = vector.extract_strided_slice %add3A_9 {offsets = [0, 896], sizes = [2000, 128], strides = [1, 1]} : vector<2000x1536xf32> to vector<2000x128xf32>
    %swap3A_58 = arith.constant 7 : index
    %swap3A_59 = arith.constant 0 : index
    %swap3A_60 = arith.constant 0 : index
    %swap3A_61 = vector.load %arg4[%swap3A_58, %swap3A_59, %swap3A_60] : memref<12x2000x128xf32, #tpu.memory_space<vmem>>, vector<1x2000x128xf32>
    %swap3A_62 = vector.shape_cast %swap3A_61 : vector<1x2000x128xf32> to vector<2000x128xf32>
    %swap3A_63 = vector.shape_cast %slice3A_57 : vector<2000x128xf32> to vector<1x2000x128xf32>
    tpu.vector_store %arg4[%swap3A_58, %swap3A_59, %swap3A_60], %swap3A_63 {strides = array<i32>} : memref<12x2000x128xf32, #tpu.memory_space<vmem>>, vector<1x2000x128xf32>,
    %slice3A_64 = vector.extract_strided_slice %add3A_9 {offsets = [0, 1024], sizes = [2000, 128], strides = [1, 1]} : vector<2000x1536xf32> to vector<2000x128xf32>
    %swap3A_65 = arith.constant 8 : index
    %swap3A_66 = arith.constant 0 : index
    %swap3A_67 = arith.constant 0 : index
    %swap3A_68 = vector.load %arg4[%swap3A_65, %swap3A_66, %swap3A_67] : memref<12x2000x128xf32, #tpu.memory_space<vmem>>, vector<1x2000x128xf32>
    %swap3A_69 = vector.shape_cast %swap3A_68 : vector<1x2000x128xf32> to vector<2000x128xf32>
    %swap3A_70 = vector.shape_cast %slice3A_64 : vector<2000x128xf32> to vector<1x2000x128xf32>
    tpu.vector_store %arg4[%swap3A_65, %swap3A_66, %swap3A_67], %swap3A_70 {strides = array<i32>} : memref<12x2000x128xf32, #tpu.memory_space<vmem>>, vector<1x2000x128xf32>,
    %slice3A_71 = vector.extract_strided_slice %add3A_9 {offsets = [0, 1152], sizes = [2000, 128], strides = [1, 1]} : vector<2000x1536xf32> to vector<2000x128xf32>
    %swap3A_72 = arith.constant 9 : index
    %swap3A_73 = arith.constant 0 : index
    %swap3A_74 = arith.constant 0 : index
    %swap3A_75 = vector.load %arg4[%swap3A_72, %swap3A_73, %swap3A_74] : memref<12x2000x128xf32, #tpu.memory_space<vmem>>, vector<1x2000x128xf32>
    %swap3A_76 = vector.shape_cast %swap3A_75 : vector<1x2000x128xf32> to vector<2000x128xf32>
    %swap3A_77 = vector.shape_cast %slice3A_71 : vector<2000x128xf32> to vector<1x2000x128xf32>
    tpu.vector_store %arg4[%swap3A_72, %swap3A_73, %swap3A_74], %swap3A_77 {strides = array<i32>} : memref<12x2000x128xf32, #tpu.memory_space<vmem>>, vector<1x2000x128xf32>,
    %slice3A_78 = vector.extract_strided_slice %add3A_9 {offsets = [0, 1280], sizes = [2000, 128], strides = [1, 1]} : vector<2000x1536xf32> to vector<2000x128xf32>
    %swap3A_79 = arith.constant 10 : index
    %swap3A_80 = arith.constant 0 : index
    %swap3A_81 = arith.constant 0 : index
    %swap3A_82 = vector.load %arg4[%swap3A_79, %swap3A_80, %swap3A_81] : memref<12x2000x128xf32, #tpu.memory_space<vmem>>, vector<1x2000x128xf32>
    %swap3A_83 = vector.shape_cast %swap3A_82 : vector<1x2000x128xf32> to vector<2000x128xf32>
    %swap3A_84 = vector.shape_cast %slice3A_78 : vector<2000x128xf32> to vector<1x2000x128xf32>
    tpu.vector_store %arg4[%swap3A_79, %swap3A_80, %swap3A_81], %swap3A_84 {strides = array<i32>} : memref<12x2000x128xf32, #tpu.memory_space<vmem>>, vector<1x2000x128xf32>,
    %slice3A_85 = vector.extract_strided_slice %add3A_9 {offsets = [0, 1408], sizes = [2000, 128], strides = [1, 1]} : vector<2000x1536xf32> to vector<2000x128xf32>
    %swap3A_86 = arith.constant 11 : index
    %swap3A_87 = arith.constant 0 : index
    %swap3A_88 = arith.constant 0 : index
    %swap3A_89 = vector.load %arg4[%swap3A_86, %swap3A_87, %swap3A_88] : memref<12x2000x128xf32, #tpu.memory_space<vmem>>, vector<1x2000x128xf32>
    %swap3A_90 = vector.shape_cast %swap3A_89 : vector<1x2000x128xf32> to vector<2000x128xf32>
    %swap3A_91 = vector.shape_cast %slice3A_85 : vector<2000x128xf32> to vector<1x2000x128xf32>
    tpu.vector_store %arg4[%swap3A_86, %swap3A_87, %swap3A_88], %swap3A_91 {strides = array<i32>} : memref<12x2000x128xf32, #tpu.memory_space<vmem>>, vector<1x2000x128xf32>,
    return
  }
  func.func @transform_0(%arg0: i32) -> (i32, i32) {
    %c0_i32 = arith.constant 0 : i32
    %c0_i32_0 = arith.constant 0 : i32
    return %arg0, %c0_i32 : i32, i32
  }
  func.func @transform_1(%arg0: i32) -> (i32, i32) {
    %c0_i32 = arith.constant 0 : i32
    %c0_i32_0 = arith.constant 0 : i32
    %c0_i32_1 = arith.constant 0 : i32
    return %c0_i32, %c0_i32_0 : i32, i32
  }
  func.func @transform_2(%arg0: i32) -> (i32, i32) {
    %c0_i32 = arith.constant 0 : i32
    %c0_i32_0 = arith.constant 0 : i32
    %c0_i32_1 = arith.constant 0 : i32
    return %c0_i32, %c0_i32_0 : i32, i32
  }
  func.func @transform_3(%arg0: i32) -> (i32, i32, i32) {
    %c0_i32 = arith.constant 0 : i32
    %c0_i32_0 = arith.constant 0 : i32
    %c0_i32_1 = arith.constant 0 : i32
    return %c0_i32, %arg0, %c0_i32_0 : i32, i32, i32
  }
}

module attributes {stable_mosaic.version = 14 : i64} {
  func.func @_combine_kernel(%arg0: i32, %arg1: memref<2x1000x128xf32, #tpu.memory_space<vmem>>, %arg2: memref<1000x128xf32, #tpu.memory_space<vmem>>) attributes {dimension_semantics = [#tpu.dimension_semantics<arbitrary>], iteration_bounds = array<i64: 10>, scalar_prefetch = 0 : i64, scratch_operands = 0 : i64, tpu.core_type = #tpu.core_type<tc>, window_params = [{transform_indices = @transform_0, window_bounds = array<i64: 2, 1000, 128>}, {transform_indices = @transform_1, window_bounds = array<i64: 1000, 128>}]} {
    %get3A = arith.constant 0 : index
    %get3A_0 = arith.constant 0 : index
    %get3A_1 = arith.constant 0 : index
    %get3A_2 = vector.load %arg1[%get3A, %get3A_0, %get3A_1] : memref<2x1000x128xf32, #tpu.memory_space<vmem>>, vector<1x1000x128xf32>
    %get3A_3 = vector.shape_cast %get3A_2 : vector<1x1000x128xf32> to vector<1000x128xf32>
    %get3A_4 = arith.constant 1 : index
    %get3A_5 = arith.constant 0 : index
    %get3A_6 = arith.constant 0 : index
    %get3A_7 = vector.load %arg1[%get3A_4, %get3A_5, %get3A_6] : memref<2x1000x128xf32, #tpu.memory_space<vmem>>, vector<1x1000x128xf32>
    %get3A_8 = vector.shape_cast %get3A_7 : vector<1x1000x128xf32> to vector<1000x128xf32>
    %add3A = arith.addf %get3A_3, %get3A_8 : vector<1000x128xf32>
    %swap3A = arith.constant 0 : index
    %swap3A_9 = arith.constant 0 : index
    %swap3A_10 = vector.load %arg2[%swap3A, %swap3A_9] : memref<1000x128xf32, #tpu.memory_space<vmem>>, vector<1000x128xf32>
    tpu.vector_store %arg2[%swap3A, %swap3A_9], %add3A {strides = array<i32>} : memref<1000x128xf32, #tpu.memory_space<vmem>>, vector<1000x128xf32>,
    return
  }
  func.func @transform_0(%arg0: i32) -> (i32, i32, i32) {
    %c0_i32 = arith.constant 0 : i32
    %c0_i32_0 = arith.constant 0 : i32
    %c0_i32_1 = arith.constant 0 : i32
    return %c0_i32, %arg0, %c0_i32_0 : i32, i32, i32
  }
  func.func @transform_1(%arg0: i32) -> (i32, i32) {
    %c0_i32 = arith.constant 0 : i32
    %c0_i32_0 = arith.constant 0 : i32
    return %arg0, %c0_i32 : i32, i32
  }
}

</mosaic_0001>

<sc_bundles>
// kernel: kernel.5.cloned.1.call-start
scs
__scs_entry_jumppad:
0x0: {  	(pc) =	sbr.rel $0x88, $3  }
0x1: {  	(tag) =	ssettag $0x0;
	lr =	simm.s32 $0x1  }
0x2: {  	[smem:$0x3F99] =	sst lr;
	_ =	strace $0xD0000000  }
0x3: {  	_ = 	snop  }
0x4: {  	_ = 	snop  }
0x5: {  	_ = 	snop  }
0x6: {  	_ = 	snop  }
0x7: {  	_ = 	snop  }
__scs_overlays_trampoline_lowered:
0x8: {  	[smem:$0x3FA8] =	sst s0  }
0x9: {  	[smem:$0x3FA9] =	sst s1  }
0xa: {  	[smem:$0x3FAA] =	sst s2  }
0xb: {  	[smem:$0x3FAB] =	sst s3  }
0xc: {  	[smem:$0x3FAC] =	sst s4  }
0xd: {  	[smem:$0x3FAD] =	sst s5  }
0xe: {  	[smem:$0x3FAE] =	sst s6  }
0xf: {  	[smem:$0x3FAF] =	sst s7  }
0x10: {  	[smem:$0x3FB0] =	sst s8  }
0x11: {  	[smem:$0x3FB1] =	sst s9;
	s0 =	simm.s32 @!p0 $0x0  }
0x12: {  	s1 =	sld [smem:$0x3F97];
	s0 =	simm.s32 @p0 $0x1  }
0x13: {  	[smem:$0x3FB2] =	sst s0;
	s0 =	simm.s32 @!p1 $0x0  }
0x14: {  	s2 =	sld [smem:$0x3F96];
	s0 =	simm.s32 @p1 $0x1  }
0x15: {  	[smem:$0x3FB3] =	sst s0;
	s0 =	simm.s32 @!p2 $0x0  }
0x16: {  	s3 =	sld [smem:$0x3FDB];
	s0 =	simm.s32 @p2 $0x1  }
0x17: {  	s4 =	simm.s32 $0x1BF5;
	[smem:$0x3FB5] =	sst s0  }
0x18: {  	s0 =	sld [smem:$0x3F98];
	_ =	swait.ge [sflag:s4], $0x0  }
0x19: {  	s7 =	sld [smem:$0x3F99]  }
0x1a: {  	s8 =	sadd.s32 $0xFFFFE003, lr  }
0x1b: {  	s9 =	sadd.s32 $0xFFFFFEF7, lr;
	s5 =	simm.s32 $0xFFFFFFFF;
	p2 =	slt.u32 s8, $0xFFFFF086  }
0x1c: {  	p1 =	slt.u32 s9, $0xF7A;
	s5 =	simm.s32 @!p2 $0x0  }
0x1d: {  	s5 =	simm.s32 @p1 $0x1;
	p0 =	seq.s32 s7, s2  }
0x1e: {  	s7 =	smul.u32 @!p0 $0xF7A, s2;
	p2 =	seq.s32 @!p0 s5, $0x0  }
0x1f: {  	s9 =	smul.u32 $0xF7A, s1;
	s8 =	simm.s32 @!p0 $0x1BF5;
	p2 =	por !p2, p0  }
0x20: {  	[sflag:s8] =	ssyncset.s32 @!p0 $0xFFFFF086;
	s6 =	sadd.s32 @!p0 s3, s7;
	s7 =	simm.s32 @!p0 $0x108  }
0x21: {  	s3 =	sadd.s32 s3, s9;
	s6 =	sadd.s32 @!p0 $0x88, s6;
	s7 =	simm.s32 @p2 $0x1082  }
0x22: {  	[simem:s7], [sflag:s8] =	dma.local @!p0 [hbm:s6], $0xF7A  }
0x23: {  	s9 =	sor.u32 $0xD0000000, s2;
	s6 =	simm.s32 $0x108;
	_ =	swait.ge @!p0 [sflag:s8], $0x0  }
0x24: {  	s3 =	sadd.s32 $0x88, s3;
	s6 =	simm.s32 @!p1 $0x1082;
	[sflag:s4] =	ssyncset.s32 $0xFFFFF086  }
0x25: {  	[simem:s6], [sflag:s4] =	dma.local [hbm:s3], $0xF7A  }
0x26: {  	[smem:$0x3F99] =	sst s1;
	(tag) =	ssettag s2;
	_ =	strace s9  }
0x27: {  	s1 =	sld [smem:$0x3FA9]  }
0x28: {  	s2 =	sld [smem:$0x3FAA]  }
0x29: {  	s4 =	sld [smem:$0x3FAC]  }
0x2a: {  	p0 =	seq.s32 s5, $0x0;
	s5 =	sld [smem:$0x3FAD]  }
0x2b: {  	s6 =	sld [smem:$0x3FAE]  }
0x2c: {  	s7 =	sld [smem:$0x3FAF]  }
0x2d: {  	s3 =	simm.s32 $0x108;
	s8 =	sld [smem:$0x3FB0]  }
0x2e: {  	s3 =	simm.s32 @!p0 $0x1082;
	s9 =	sld [smem:$0x3FB1]  }
0x2f: {  	lr =	sadd.s32 s0, s3;
	s0 =	sld [smem:$0x3FA8]  }
0x30: {  	s3 =	sld [smem:$0x3FAB]  }
0x31: {  	[smem:$0x3FB4] =	sst s10  }
0x32: {  	s10 =	sld [smem:$0x3FB2];
	_ =	sdelay $0x3  }
0x33: {  	p0 =	seq.s32 s10, $0x1;
	s10 =	sld [smem:$0x3FB4];
	_ =	sdelay $0x3  }
0x34: {  	[smem:$0x3FB4] =	sst s10  }
0x35: {  	s10 =	sld [smem:$0x3FB3];
	_ =	sdelay $0x3  }
0x36: {  	p1 =	seq.s32 s10, $0x1;
	s10 =	sld [smem:$0x3FB4];
	_ =	sdelay $0x3  }
0x37: {  	[smem:$0x3FB4] =	sst s10  }
0x38: {  	s10 =	sld [smem:$0x3FB5]  }
0x39: {  	_ = 	snop;
	(pc) =	sbr.ind lr, $3  }
0x3a: {  	_ = 	snop  }
0x3b: {  	_ = 	snop  }
0x3c: {  	p2 =	seq.s32 s10, $0x1;
	s10 =	sld [smem:$0x3FB4]  }
0x3d: {  	_ =	shalt  }
0x3e: {  	_ =	shalt  }
0x3f: {  	_ =	shalt  }
0x40: {  	_ =	shalt  }
0x41: {  	_ =	shalt  }
0x42: {  	_ =	shalt  }
0x43: {  	_ =	shalt  }
0x44: {  	_ =	shalt  }
0x45: {  	_ =	shalt  }
0x46: {  	_ =	shalt  }
0x47: {  	_ =	shalt  }
0x48: {  	_ =	shalt  }
0x49: {  	_ =	shalt  }
0x4a: {  	_ =	shalt  }
0x4b: {  	_ =	shalt  }
0x4c: {  	_ =	shalt  }
0x4d: {  	_ =	shalt  }
0x4e: {  	_ =	shalt  }
0x4f: {  	_ =	shalt  }
0x50: {  	_ =	shalt  }
0x51: {  	_ =	shalt  }
0x52: {  	_ =	shalt  }
0x53: {  	_ =	shalt  }
0x54: {  	_ =	shalt  }
0x55: {  	_ =	shalt  }
0x56: {  	_ =	shalt  }
0x57: {  	_ =	shalt  }
0x58: {  	_ =	shalt  }
0x59: {  	_ =	shalt  }
0x5a: {  	_ =	shalt  }
0x5b: {  	_ =	shalt  }
0x5c: {  	_ =	shalt  }
0x5d: {  	_ =	shalt  }
0x5e: {  	_ =	shalt  }
0x5f: {  	_ =	shalt  }
0x60: {  	_ =	shalt  }
0x61: {  	_ =	shalt  }
0x62: {  	_ =	shalt  }
0x63: {  	_ =	shalt  }
0x64: {  	_ =	shalt  }
0x65: {  	_ =	shalt  }
0x66: {  	_ =	shalt  }
0x67: {  	_ =	shalt  }
0x68: {  	_ =	shalt  }
0x69: {  	_ =	shalt  }
0x6a: {  	_ =	shalt  }
0x6b: {  	_ =	shalt  }
0x6c: {  	_ =	shalt  }
0x6d: {  	_ =	shalt  }
0x6e: {  	_ =	shalt  }
0x6f: {  	_ =	shalt  }
0x70: {  	_ =	shalt  }
0x71: {  	_ =	shalt  }
0x72: {  	_ =	shalt  }
0x73: {  	_ =	shalt  }
0x74: {  	_ =	shalt  }
0x75: {  	_ =	shalt  }
0x76: {  	_ =	shalt  }
0x77: {  	_ =	shalt  }
0x78: {  	_ =	shalt  }
0x79: {  	_ =	shalt  }
0x7a: {  	_ =	shalt  }
0x7b: {  	_ =	shalt  }
0x7c: {  	_ =	shalt  }
0x7d: {  	_ =	shalt  }
0x7e: {  	_ =	shalt  }
0x7f: {  	_ =	shalt  }
0x80: {  	_ =	shalt  }
0x81: {  	_ =	shalt  }
0x82: {  	_ =	shalt  }
0x83: {  	_ =	shalt  }
0x84: {  	_ =	shalt  }
0x85: {  	_ =	shalt  }
0x86: {  	_ =	shalt  }
0x87: {  	_ =	shalt  }
.Lfunc_end0:
.L_simem_size_0:
called_computation_lowered:
.L_overlay_start_0:
0x88: {  	s2 =	sld [smem:$0x3FD9]  }
0x89: {  	s3 =	sld [smem:$0x3FFE];
	_ =	sdelay $0x1  }
0x8a: {  	s1 =	srdreg.scid  }
0x8b: {  	s0 =	sand.u32 $0x1, s1  }
0x8c: {  	s17 =	sshll.u32 s0, $0xA;
	s2 =	sadd.s32 s3, s2  }
0x8d: {  	s2 =	sadd.s32 s2, s17  }
0x8e: {  	[smem:$0x3FC0] =	sst s2  }
0x8f: {  	_ = 	snop  }
0x90: {  	s2 =	sld [smem:$0x3FD0];
	(tm) =	ssettm $0x1  }
0x91: {  	s18 =	sld [smem:$0x3FFB];
	_ =	sdelay $0x3  }
0x92: {  	_ =	strace s18  }
0x93: {  	s3 =	sld [smem:$0x3FFC];
	_ =	sdelay $0x3  }
0x94: {  	_ =	strace s3  }
0x95: {  	s3 =	sld [smem:$0x3FFD];
	_ =	sdelay $0x3  }
0x96: {  	_ =	strace s3  }
0x97: {  	_ =	strace $0x8FFFFFFF  }
0x98: {  	s19 =	sld [smem:$0x3FDB];
	_ =	sdelay $0x1  }
0x99: {  	s4 =	simm.s32 $_scs_section_size  }
0x9a: {  	s5 =	simm.s32 $_size__tile_overlayer_lowered;
	s6 =	simm.s32 $_tile_overlayer_lowered  }
0x9b: {  	s22 =	simm.s32 $0x1BFF;
	s21 =	sshll.u32 s6, $0x1;
	s3 =	sadd.s32 s4, s19  }
0x9c: {  	s7 =	simm.s32 $0x0;
	s20 =	sshll.u32 s5, $0x1;
	s5 =	sadd.s32 s21, s3  }
0x9d: {  	[timem:s7], [sflag:s22] =	dma.local [hbm:s5], s20  }
0x9e: {  	_ =	swait.ge [sflag:s22], s20  }
0x9f: {  	s4 =	ssub.s32 $0x0, s20;
	[sflag:s22] =	ssyncset.done $0x0  }
0xa0: {  	[sflag:s22] =	ssyncadd.s32 s4;
	_ =	sdelay $0x1  }
0xa1: {  	s23 =	simm.s32 $0x1B8B  }
0xa2: {  	_ =	swait.ge [sflag:s23], $0x1  }
0xa3: {  	[sflag:s23] =	ssyncset.done $0x0  }
0xa4: {  	s25 =	simm.s32 $0x1B8E;
	s24 =	sld [smem:$0x3FFE];
	[sflag:s23] =	ssyncadd.s32 $0xFFFFFFFF  }
0xa5: {  	s26 =	simm.s32 $execute0_lowered;
	[smem:$0x3FD2] =	sst s25  }
0xa6: {  	s5 =	sshll.u32 s26, $0x1;
	_ =	strace $0x80000046;
	[dreg:$0x1] =	wrdreg $0xFFFFFFFF  }
0xa7: {  	s28 =	simm.s32 $_size_execute0_lowered;
	s3 =	sadd.s32 s3, s5;
	[dreg:$0x0] =	wrdreg $0x0  }
0xa8: {  	s5 =	sshll.u32 s28, $0x1;
	[dreg:$0x2] =	wrdreg s3  }
0xa9: {  	[dreg:$0x3] =	wrdreg s5  }
0xaa: {  	[dreg:$0x4] =	wrdreg $0xC0  }
0xab: {  	_ =	task [dreg:s7], $0x5FFFF  }
0xac: {  	[dreg:$0x1] =	wrdreg $0xFFFFFFFF  }
0xad: {  	[dreg:$0x0] =	wrdreg $0x60  }
0xae: {  	[dreg:$0x2] =	wrdreg s24  }
0xaf: {  	[dreg:$0x3] =	wrdreg s2  }
0xb0: {  	[dreg:$0x4] =	wrdreg $0x98000  }
0xb1: {  	[dreg:$0x5] =	wrdreg $0x9  }
0xb2: {  	_ =	task.clear_ibuf [dreg:s7], $0x6FFFF;
	_ =	strace $0x90000046  }
0xb3: {  	s29 =	simm.s32 $0x9;
	_ =	strace $0x80000048  }
0xb4: {  	_ =	swait.ge [sflag:s29], $0x1  }
0xb5: {  	[sflag:s29] =	ssyncadd.s32 $0xFFFFFFFF  }
0xb6: {  	_ =	strace $0x90000048  }
0xb7: {  	_ =	sfence  }
0xb8: {  	s30 =	sld [smem:$0x0];
	_ =	sdelay $0x2  }
0xb9: {  	s31 =	sshll.u32 s1, $0xD;
	s1 =	sshrl.u32 s1, $0x2  }
0xba: {  	s3 =	sand.u32 $0x4000, s31;
	s1 =	sadd.s32 s1, s30  }
0xbb: {  	s0 =	sor.u32 s3, s0;
	s1 =	sshll.u32 s1, $0x11  }
0xbc: {  	s0 =	sor.u32 s1, s0  }
0xbd: {  	s0 =	sadd.s32 $0x8F2B, s0  }
0xbe: {  	[sflag:s0] =	ssyncadd.remote.s32 $0x1  }
0xbf: {  	_ =	sfence.sel $0xFFFF  }
0xc0: {  	[dreg:$0x0] =	wrdreg $0xFFFFFFFF;
	(pc) =	sbr.abs _section_cstart, $3  }
0xc1: {  	[dreg:$0x1] =	wrdreg $0xFFFFFFFF  }
0xc2: {  	_ =	task.clear_ibuf [dreg:s7], $0x2FFFF;
	_ =	strace $0x9FFFFFFF  }
0xc3: {  	(tm) =	ssettm $0x7FFFFFFF  }
tec
execute0_lowered:
.L_overlay_start_1:
0x0: {  	(tag) =	ssettag $0x1  }
0x1: {  	s1 =	srdreg.scid;
	s6 =	rddreg [dreg:$0x0]  }
0x2: {  	s0 =	stileid.u32;
	s8 =	rddreg [dreg:$0x1]  }
0x3: {  	s2 =	rddreg [dreg:$0x2];
	s3 =	simm.s32 $0x0;
	s14 =	simm.s32 $0x80  }
0x4: {  	s15 =	simm.s32 $0x5800;
	s16 =	simm.s32 $0x1;
	s17 =	simm.s32 $0x0  }
0x5: {  	s7 =	sand.u32 $0x1, s1;
	s29 =	sshll.u32 s0, $0x1;
	s10 =	smul.u32 $0x13C00, s0  }
0x6: {  	[smem:$0x7FF] =	sst s3;
	s4 =	sadd.s32 $0xBC00, s6;
	s12 =	smul.u32 $0x4F000, s0  }
0x7: {  	s31 =	sshll.u32 s0, $0x6;
	s1 =	sor.u32 s7, s29;
	s5 =	smul.u32 $0x13C000, s7  }
0x8: {  	s7 =	ssub.s32 $0x2, s7;
	s9 =	smul.u32 $0x580, s1;
	s1 =	rddreg [dreg:$0x3]  }
0x9: {  	_ =	strace $0x80000047;
	s30 =	sshrl.u32 s7, $0x1;
	s12 =	sshrl.u32 s12, $0x2  }
0xa: {  	s10 =	sadd.s32 s10, s5;
	s5 =	sadd.s32 $0x1E0800, s6;
	s13 =	ssub.s32 s7, s30  }
0xb: {  	s12 =	sadd.s32 s12, s2;
	s11 =	sadd.s32 s9, s6;
	s10 =	sshrl.u32 s10, $0x3  }
0xc: {  	s7 =	sadd.s32 s8, s9;
	s10 =	sadd.s32 s10, s6;
	s6 =	sor.u32 $0x1C02, s31  }
0xd: {  	s8 =	sadd.s32 $0xC00, s11;
	s11 =	sshrl.u32 s12, $0x3;
	s12 =	simm.s32 $0x2  }
0xe: {  	s9 =	sadd.s32 $0x1E3000, s10;
	s10 =	smax.u32 s13, $0x1;
	s13 =	simm.s32 $0x2C00  }
.LBB2_1:
0xf: {  	[spmem:s11], [sflag:s6] =	dma.local [hbm:s5], $0x2780  }
0x10: {  	_ =	swait.ge [sflag:s12], $0x2780  }
0x11: {  	[sflag:s12] =	ssyncset.done $0x0  }
0x12: {  	[sflag:s12] =	ssyncadd.s32 $0xFFFFD880  }
0x13: {  	[tilespmem:s3], [sflag:$0x2] =	stream.linear.gather [hbm4b:s7+s3], $0x2900, $0x38;
	[tilespmem:$0x1D400] =	vst v63  }
0x14: {  	_ =	swait.ge [sflag:s12], $0x2900  }
0x15: {  	[sflag:s12] =	ssyncset.done $0x0  }
0x16: {  	[sflag:s12] =	ssyncadd.s32 $0xFFFFD700  }
0x17: {  	[tilespmem:s13], [sflag:$0x2] =	stream.linear.gather [hbm4b:s8+s3], $0x2900, $0x38;
	[tilespmem:$0x1D400] =	vst v63  }
0x18: {  	_ =	swait.ge [sflag:s12], $0x2900  }
0x19: {  	[sflag:s12] =	ssyncset.done $0x0  }
0x1a: {  	[sflag:s12] =	ssyncadd.s32 $0xFFFFD700  }
0x1b: {  	s18 =	simm.s32 $0x0;
	[bflag:$0x0] =	sbarrier.arrive $0xFFFF  }
0x1c: {  	[tilespmem:s15], [sflag:$0x1] =	stream.indirect.gather [hbm4b:s4+s14], $0x80, s18, s14, $0xb8;
	[tilespmem:$0x1D400] =	vst v63  }
0x1d: {  	_ =	swait.ge [sflag:s16], $0x4000  }
0x1e: {  	[sflag:s16] =	ssyncset.done $0x0  }
0x1f: {  	s31 =	simm.s32 $0x2C00;
	[sflag:s16] =	ssyncadd.s32 $0xFFFFC000  }
0x20: {  	[spmem:s2] =	stream.indirect.scatter.add.f32 [tilespmem:s15], [sflag:$0x2], $0x80, s31, s14, $0xb8;
	[tilespmem:$0x1D400] =	vst v63  }
0x21: {  	_ =	swait.ge [sflag:s12], $0x4000  }
0x22: {  	s19 =	simm.s32 $0x400;
	s18 =	simm.s32 $0x200;
	[sflag:s12] =	ssyncset.done $0x0  }
.LBB2_2:
0x23: {  	s20 =	sshra.s32 s18, $0x2  }
0x24: {  	[sflag:s12] =	ssyncadd.s32 $0xFFFFC000;
	s18 =	smov.u32 s19;
	s21 =	sadd.s32 $0x200, s19  }
0x25: {  	[tilespmem:s15], [sflag:$0x1] =	stream.indirect.gather [hbm4b:s4+s14], $0x80, s20, s14, $0xb8;
	[tilespmem:$0x1D400] =	vst v63  }
0x26: {  	p0 =	sne.s32 s19, $0xA200;
	_ =	swait.ge [sflag:s16], $0x4000  }
.Ltmp0:
0x27: {  	[sflag:s16] =	ssyncset.done $0x0;
	(pc) =	sbr.rel @p0 .LBB2_2-.Ltmp0, $4  }
0x28: {  	s19 =	sadd.s32 $0x2C00, s20;
	[sflag:s16] =	ssyncadd.s32 $0xFFFFC000  }
0x29: {  	[spmem:s2] =	stream.indirect.scatter.add.f32 [tilespmem:s15], [sflag:$0x2], $0x80, s19, s14, $0xb8;
	[tilespmem:$0x1D400] =	vst v63  }
0x2a: {  	_ =	swait.ge [sflag:s12], $0x4000  }
0x2b: {  	s19 =	smov.u32 s21;
	[sflag:s12] =	ssyncset.done $0x0  }
0x2c: {  	s18 =	sshra.s32 s18, $0x2;
	[sflag:s12] =	ssyncadd.s32 $0xFFFFC000  }
0x2d: {  	[tilespmem:s15], [sflag:$0x1] =	stream.indirect.gather [hbm4b:s4+s14], $0x80, s18, s14, $0xb8;
	[tilespmem:$0x1D400] =	vst v63  }
0x2e: {  	_ =	swait.ge [sflag:s16], $0x4000  }
0x2f: {  	[sflag:s16] =	ssyncset.done $0x0  }
0x30: {  	s18 =	sadd.s32 $0x2C00, s18;
	[sflag:s16] =	ssyncadd.s32 $0xFFFFC000  }
0x31: {  	[spmem:s2] =	stream.indirect.scatter.add.f32 [tilespmem:s15], [sflag:$0x2], $0x80, s18, s14, $0xb8;
	[tilespmem:$0x1D400] =	vst v63  }
0x32: {  	_ =	swait.ge [sflag:s12], $0x4000  }
0x33: {  	s17 =	sadd.s32 $0x1, s17;
	[sflag:s12] =	ssyncset.done $0x0  }
0x34: {  	p0 =	sne.s32 s17, s10;
	[sflag:s12] =	ssyncadd.s32 $0xFFFFC000  }
.Ltmp1:
0x35: {  	[bflag:$0x0] =	sbarrier.arrive $0xFFFF;
	(pc) =	sbr.rel @p0 .LBB2_1-.Ltmp1, $4  }
0x36: {  	[hbm:s9], [sflag:s6] =	dma.local [spmem:s11], $0x2780  }
0x37: {  	_ =	swait.ge [sflag:s12], $0x2780  }
0x38: {  	[sflag:s12] =	ssyncset.done $0x0  }
0x39: {  	[sflag:s12] =	ssyncadd.s32 $0xFFFFD880  }
0x3a: {  	_ =	sfence.sel $0x180000  }
0x3b: {  	[bflag:$0x0] =	sbarrier.arrive $0xFFFF  }
0x3c: {  	p0 =	sne.s32 s0, $0x0;
	_ =	strace $0x90000047  }
0x3d: {  	s0 =	sadd.s32 @!p0 $0x100000, s1;
	[bflag:$0x2] =	sbarrier.arrive $0xFFFF  }
0x3e: {  	[sflag:s0] =	ssyncadd.tile.s32 @!p0 $0x1;
	_ =	shalt  }
.Lfunc_end2:
_tile_overlayer_lowered:
.L_overlay_start_2:
0x3f: {  	(tag) =	ssettag $0x2  }
0x40: {  	s0 =	rddreg [dreg:$0x0];
	s2 =	stileid.u32  }
0x41: {  	s1 =	rddreg [dreg:$0x1];
	p0 =	sne.s32 s2, $0x0  }
0x42: {  	s3 =	rddreg [dreg:$0x2];
	[bflag:$0x3] =	sbarrier.arrive $0xFFFF;
	s2 =	simm.s32 @!p0 $0x1C02  }
0x43: {  	[timem:s3], [sflag:s2] =	dma.local @!p0 [hbm:s0], s1  }
0x44: {  	s0 =	simm.s32 @!p0 $0x2  }
0x45: {  	_ =	swait.ge @!p0 [sflag:s0], s1  }
0x46: {  	s1 =	ssub.s32 @!p0 $0x0, s1;
	[sflag:s0] =	ssyncset.done @!p0 $0x0  }
0x47: {  	[sflag:s0] =	ssyncadd.s32 @!p0 s1  }
0x48: {  	[bflag:$0x3] =	sbarrier.arrive $0xFFFF  }
0x49: {  	_ =	shalt  }

</sc_bundles>
